<compile_context>
chip_gen: v7x
topology: tpu7x:2x2x1
jax: 0.10.2.dev20260603
libtpu: 0.0.44.dev20260713+nightly
codegen_flags: <defaults>
</compile_context>

<pallas_src>
import numpy as np
import jax
import jax.numpy as jnp
from jax.experimental import pallas as pl
from jax.experimental.pallas import tpu as pltpu

_N, _L, _K = 128, 8192, 20
_C = 2560
_RT = 64
_R = _L // 128
_J = _R // _RT
_G = _C // _K


def _threefry_bits(x1):
    k1 = jnp.uint32(42)
    k2 = jnp.uint32(0 ^ 42 ^ 0x1BD11BDA)
    ks = (jnp.uint32(0), k1, k2)
    rot = ((13, 15, 26, 6), (17, 29, 16, 24))
    x1 = x1 + k1
    x0 = x1
    x1 = ((x1 << 13) | (x1 >> 19)) ^ x0
    for i in range(5):
        rs = rot[i % 2][1:] if i == 0 else rot[i % 2]
        for r in rs:
            x0 = x0 + x1
            x1 = ((x1 << r) | (x1 >> (32 - r))) ^ x0
        x0 = x0 + ks[(i + 1) % 3]
        x1 = x1 + ks[(i + 2) % 3] + jnp.uint32(i + 1)
    return x0 ^ x1


def _body(dt_ref, ct_ref, vc_ref, xt_ref, mk_ref, x_out, c_out,
          pg_ref, pw_ref, e1_ref, e1t_ref):
    n = pl.program_id(0)
    j = pl.program_id(1)

    @pl.when((n == 0) & (j == 0))
    def _init():
        lane = jax.lax.broadcasted_iota(jnp.int32, (_RT, _C), 1)
        pgi = lane % _K
        pg_ref[...] = pgi
        pw_ref[...] = jax.lax.bitcast_convert_type(
            (127 - pgi) << 23, jnp.float32)
        crow = jax.lax.broadcasted_iota(jnp.int32, (_C, _G), 0)
        ccol = jax.lax.broadcasted_iota(jnp.int32, (_C, _G), 1)
        e1_ref[...] = (crow // _K == ccol).astype(jnp.float32)
        trow = jax.lax.broadcasted_iota(jnp.int32, (_G, _C), 0)
        tcol = jax.lax.broadcasted_iota(jnp.int32, (_G, _C), 1)
        e1t_ref[...] = (tcol // _K == trow).astype(jnp.float32)

    ct = ct_ref[0]
    vc = vc_ref[0]
    dtn = dt_ref[n]
    c_new = ct + vc * dtn
    probs = jnp.clip(c_new, 0.0, 1.0) + 1e-8
    v = jnp.log(probs)

    pg = pg_ref[...]
    row = jax.lax.broadcasted_iota(jnp.int32, (_RT, _C), 0)
    lane = jax.lax.broadcasted_iota(jnp.int32, (_RT, _C), 1)
    flat = (n * _R + j * _RT + row) * _C + lane
    bits = _threefry_bits(flat.astype(jnp.uint32))
    fb = (bits >> 9) | jnp.uint32(0x3F800000)
    floats = jax.lax.bitcast_convert_type(fb, jnp.float32) - 1.0
    tiny = jnp.float32(np.finfo(np.float32).tiny)
    u = jnp.maximum(tiny, floats + tiny)
    v = v + (-jnp.log(-jnp.log(u)))

    neg_inf = jnp.float32(-np.inf)
    m = v
    for s in (1, 2, 4, 8, 16):
        cand = pltpu.roll(m, _C - s, 1)
        m = jnp.maximum(m, jnp.where(pg + s < _K, cand, neg_inf))
    for s in (1, 2, 4, 8, 16):
        cand = pltpu.roll(m, s, 1)
        m = jnp.maximum(m, jnp.where(pg - s >= 0, cand, neg_inf))

    contrib = jnp.where(v == m, pw_ref[...], 0.0)
    s2 = jnp.dot(contrib, e1_ref[...],
                 preferred_element_type=jnp.float32)
    xs = 127 - (jax.lax.bitcast_convert_type(s2, jnp.int32) >> 23)

    mk = mk_ref[0]
    x_out[0] = jnp.where(mk != 0, xs, xt_ref[0])

    mke = jnp.dot(mk.astype(jnp.float32), e1t_ref[...],
                  preferred_element_type=jnp.float32)
    c_out[0] = jnp.where(mke > 0.5, c_new, ct)


def kernel(xt, ct, vc_t, dt, mask):
    ct3 = ct.reshape(_N, _R, _C)
    vc3 = vc_t.reshape(_N, _R, _C)
    xt3 = xt.reshape(_N, _R, 128)
    mk3 = mask.astype(jnp.int32).reshape(_N, _R, 128)
    x_new, c_new = pl.pallas_call(
        _body,
        grid=(_N, _J),
        in_specs=[
            pl.BlockSpec(memory_space=pltpu.SMEM),
            pl.BlockSpec((1, _RT, _C), lambda n, j: (n, j, 0)),
            pl.BlockSpec((1, _RT, _C), lambda n, j: (n, j, 0)),
            pl.BlockSpec((1, _RT, 128), lambda n, j: (n, j, 0)),
            pl.BlockSpec((1, _RT, 128), lambda n, j: (n, j, 0)),
        ],
        out_specs=[
            pl.BlockSpec((1, _RT, 128), lambda n, j: (n, j, 0)),
            pl.BlockSpec((1, _RT, _C), lambda n, j: (n, j, 0)),
        ],
        out_shape=[
            jax.ShapeDtypeStruct((_N, _R, 128), jnp.int32),
            jax.ShapeDtypeStruct((_N, _R, _C), jnp.float32),
        ],
        scratch_shapes=[
            pltpu.VMEM((_RT, _C), jnp.int32),
            pltpu.VMEM((_RT, _C), jnp.float32),
            pltpu.VMEM((_C, _G), jnp.float32),
            pltpu.VMEM((_G, _C), jnp.float32),
        ],
    )(dt, ct3, vc3, xt3, mk3)
    return x_new.reshape(_N, _L), c_new.reshape(_N, _L, _K)

# --- scband reference (transcript-rebuilt; emitter-appended) ---
"""Pipeline reference for scband-type-flow-sampler-438086664550 (READ-ONLY COPY).

The authoritative reference and input builder live on the scoring server;
editing this copy changes nothing except your own understanding.
"""

import jax, jax.numpy as jnp
import numpy as np

N, L, K = 128, 8192, 20


def setup_inputs(seed: int = 0) -> dict:
    key = jax.random.key(seed)
    k1, k2, k3, k4, k5 = jax.random.split(key, 5)
    xt = jax.random.randint(k1, (N, L), 0, K)
    ct = jax.random.uniform(k2, (N, L, K), dtype=jnp.float32)
    vc_t = jax.random.normal(k3, (N, L, K), dtype=jnp.float32)
    dt = jax.random.uniform(k4, (N,), dtype=jnp.float32)
    mask = jax.random.randint(k5, (N, L), 0, 2).astype(bool)
    return {"xt": xt, "ct": ct, "vc_t": vc_t, "dt": dt, "mask": mask}


def _multinomial_sample(c, key):
    # torch.multinomial(c, 1): sample category proportional to (unnormalized) weights c.
    # Equivalent: categorical over log-weights.
    n, l, k = c.shape
    logits = jnp.log(c.reshape(n * l, k))
    x = jax.random.categorical(key, logits, axis=-1)
    return x.reshape(n, l)


def reference(xt, ct, vc_t, dt, mask):
    # TypeFlowSampler.inference(xt, ct, vc_t, dt, mask)
    dtb = dt.reshape(-1, *([1] * (ct.ndim - 1)))
    c_new = ct + vc_t * dtb
    probs = jnp.clip(c_new, 0.0, 1.0) + 1e-08
    x_new = _multinomial_sample(probs, jax.random.key(42))
    c_new = jnp.where(mask[..., None], c_new, ct)
    x_new = jnp.where(mask, x_new, xt)
    return (x_new, c_new)

if __name__ == "__main__":
    import jax
    _d = setup_inputs()
    print(jax.jit(kernel)(*tuple(_d.values())))

</pallas_src>

<mosaic_0001>
module attributes {stable_mosaic.version = 14 : i64} {
  func.func @_body(%arg0: i32, %arg1: i32, %arg2: memref<128xf32, #tpu.memory_space<smem>>, %arg3: memref<1x64x2560xf32, #tpu.memory_space<vmem>>, %arg4: memref<1x64x2560xf32, #tpu.memory_space<vmem>>, %arg5: memref<1x64x128xi32, #tpu.memory_space<vmem>>, %arg6: memref<1x64x128xi32, #tpu.memory_space<vmem>>, %arg7: memref<1x64x128xi32, #tpu.memory_space<vmem>>, %arg8: memref<1x64x2560xf32, #tpu.memory_space<vmem>>, %arg9: memref<64x2560xi32, #tpu.memory_space<vmem>>, %arg10: memref<64x2560xf32, #tpu.memory_space<vmem>>, %arg11: memref<2560x128xf32, #tpu.memory_space<vmem>>, %arg12: memref<128x2560xf32, #tpu.memory_space<vmem>>) attributes {dimension_semantics = [#tpu.dimension_semantics<arbitrary>, #tpu.dimension_semantics<arbitrary>], iteration_bounds = array<i64: 128, 1>, scalar_prefetch = 0 : i64, scratch_operands = 4 : i64, tpu.core_type = #tpu.core_type<tc>, window_params = [{transform_indices = @transform_0, window_bounds = array<i64: 128>}, {transform_indices = @transform_1, window_bounds = array<i64: 1, 64, 2560>}, {transform_indices = @transform_2, window_bounds = array<i64: 1, 64, 2560>}, {transform_indices = @transform_3, window_bounds = array<i64: 1, 64, 128>}, {transform_indices = @transform_4, window_bounds = array<i64: 1, 64, 128>}, {transform_indices = @transform_5, window_bounds = array<i64: 1, 64, 128>}, {transform_indices = @transform_6, window_bounds = array<i64: 1, 64, 2560>}]} {
    %eq3A = arith.constant 0 : i32
    %eq3A_0 = arith.cmpi eq, %arg0, %eq3A : i32
    %eq3A_1 = arith.constant 0 : i32
    %eq3A_2 = arith.cmpi eq, %arg1, %eq3A_1 : i32
    %and3A = arith.andi %eq3A_0, %eq3A_2 : i1
    %convert_element_type3A = arith.extui %and3A : i1 to i32
    %cond3A = arith.constant 0 : i32
    %cond3A_3 = arith.cmpi ne, %convert_element_type3A, %cond3A : i32
    scf.if %cond3A_3 {
      %iota3A_448 = tpu.iota {dimensions = array<i32: 1>} : vector<64x2560xi32>
      %jit3A_449 = arith.constant 20 : i32
      %eq3A_450 = arith.constant 0 : i32
      %eq3A_451 = arith.cmpi eq, %jit3A_449, %eq3A_450 : i32
      %jit3A_452 = arith.constant 1 : i32
      %select_n3A_453 = arith.select %eq3A_451, %jit3A_452, %jit3A_449 : i32
      %rem3A = vector.broadcast %select_n3A_453 : i32 to vector<64x2560xi32>
      %rem3A_454 = arith.remsi %iota3A_448, %rem3A : vector<64x2560xi32>
      %ne3A_455 = arith.constant 0 : i32
      %ne3A_456 = vector.broadcast %ne3A_455 : i32 to vector<64x2560xi32>
      %ne3A_457 = arith.cmpi ne, %rem3A_454, %ne3A_456 : vector<64x2560xi32>
      %lt3A_458 = arith.constant 0 : i32
      %lt3A_459 = vector.broadcast %lt3A_458 : i32 to vector<64x2560xi32>
      %lt3A_460 = arith.cmpi slt, %rem3A_454, %lt3A_459 : vector<64x2560xi32>
      %lt3A_461 = arith.constant 0 : i32
      %lt3A_462 = arith.cmpi slt, %select_n3A_453, %lt3A_461 : i32
      %ne3A_463 = vector.broadcast %lt3A_462 : i1 to vector<64x2560xi1>
      %ne3A_464 = vector.broadcast %ne3A_463 : vector<64x2560xi1> to vector<64x2560xi1>
      %ne3A_465 = arith.xori %lt3A_460, %ne3A_464 : vector<64x2560xi1>
      %and3A_466 = arith.andi %ne3A_465, %ne3A_457 : vector<64x2560xi1>
      %add3A_467 = vector.broadcast %select_n3A_453 : i32 to vector<64x2560xi32>
      %add3A_468 = arith.addi %rem3A_454, %add3A_467 : vector<64x2560xi32>
      %select_n3A_469 = arith.select %and3A_466, %add3A_468, %rem3A_454 : vector<64x2560xi1>, vector<64x2560xi32>
      %swap3A_470 = arith.constant 0 : index
      %swap3A_471 = arith.constant 0 : index
      %swap3A_472 = vector.load %arg9[%swap3A_470, %swap3A_471] : memref<64x2560xi32, #tpu.memory_space<vmem>>, vector<64x2560xi32>
      tpu.vector_store %arg9[%swap3A_470, %swap3A_471], %select_n3A_469 {strides = array<i32>} : memref<64x2560xi32, #tpu.memory_space<vmem>>, vector<64x2560xi32>,
      %sub3A_473 = arith.constant 127 : i32
      %sub3A_474 = vector.broadcast %sub3A_473 : i32 to vector<64x2560xi32>
      %sub3A_475 = arith.subi %sub3A_474, %select_n3A_469 : vector<64x2560xi32>
      %shift_left3A_476 = arith.constant 23 : i32
      %shift_left3A_477 = vector.broadcast %shift_left3A_476 : i32 to vector<64x2560xi32>
      %shift_left3A_478 = arith.shli %sub3A_475, %shift_left3A_477 : vector<64x2560xi32>
      %bitcast_convert_type3A_479 = tpu.bitcast %shift_left3A_478 : vector<64x2560xi32> -> vector<64x2560xf32>
      %swap3A_480 = arith.constant 0 : index
      %swap3A_481 = arith.constant 0 : index
      %swap3A_482 = vector.load %arg10[%swap3A_480, %swap3A_481] : memref<64x2560xf32, #tpu.memory_space<vmem>>, vector<64x2560xf32>
      tpu.vector_store %arg10[%swap3A_480, %swap3A_481], %bitcast_convert_type3A_479 {strides = array<i32>} : memref<64x2560xf32, #tpu.memory_space<vmem>>, vector<64x2560xf32>,
      %iota3A_483 = tpu.iota {dimensions = array<i32: 0>} : vector<2560x128xi32>
      %iota3A_484 = tpu.iota {dimensions = array<i32: 1>} : vector<2560x128xi32>
      %jit3A_485 = arith.constant 20 : i32
      %div3A = vector.broadcast %jit3A_485 : i32 to vector<2560x128xi32>
      %div3A_486 = arith.divsi %iota3A_483, %div3A : vector<2560x128xi32>
      %sign3A = arith.constant 0 : i32
      %sign3A_487 = vector.broadcast %sign3A : i32 to vector<2560x128xi32>
      %sign3A_488 = arith.cmpi sgt, %iota3A_483, %sign3A_487 : vector<2560x128xi32>
      %sign3A_489 = arith.extui %sign3A_488 : vector<2560x128xi1> to vector<2560x128xi32>
      %sign3A_490 = arith.constant 0 : i32
      %sign3A_491 = vector.broadcast %sign3A_490 : i32 to vector<2560x128xi32>
      %sign3A_492 = arith.cmpi slt, %iota3A_483, %sign3A_491 : vector<2560x128xi32>
      %sign3A_493 = arith.extui %sign3A_492 : vector<2560x128xi1> to vector<2560x128xi32>
      %sign3A_494 = arith.subi %sign3A_489, %sign3A_493 : vector<2560x128xi32>
      %sign3A_495 = arith.constant 0 : i32
      %sign3A_496 = arith.cmpi sgt, %jit3A_485, %sign3A_495 : i32
      %sign3A_497 = arith.extui %sign3A_496 : i1 to i32
      %sign3A_498 = arith.constant 0 : i32
      %sign3A_499 = arith.cmpi slt, %jit3A_485, %sign3A_498 : i32
      %sign3A_500 = arith.extui %sign3A_499 : i1 to i32
      %sign3A_501 = arith.subi %sign3A_497, %sign3A_500 : i32
      %ne3A_502 = vector.broadcast %sign3A_501 : i32 to vector<2560x128xi32>
      %ne3A_503 = arith.cmpi ne, %sign3A_494, %ne3A_502 : vector<2560x128xi32>
      %rem3A_504 = vector.broadcast %jit3A_485 : i32 to vector<2560x128xi32>
      %rem3A_505 = arith.remsi %iota3A_483, %rem3A_504 : vector<2560x128xi32>
      %ne3A_506 = arith.constant 0 : i32
      %ne3A_507 = vector.broadcast %ne3A_506 : i32 to vector<2560x128xi32>
      %ne3A_508 = arith.cmpi ne, %rem3A_505, %ne3A_507 : vector<2560x128xi32>
      %and3A_509 = arith.andi %ne3A_503, %ne3A_508 : vector<2560x128xi1>
      %sub3A_510 = arith.constant 1 : i32
      %sub3A_511 = vector.broadcast %sub3A_510 : i32 to vector<2560x128xi32>
      %sub3A_512 = arith.subi %div3A_486, %sub3A_511 : vector<2560x128xi32>
      %select_n3A_513 = arith.select %and3A_509, %sub3A_512, %div3A_486 : vector<2560x128xi1>, vector<2560x128xi32>
      %eq3A_514 = arith.cmpi eq, %select_n3A_513, %iota3A_484 : vector<2560x128xi32>
      %convert_element_type3A_515 = arith.extui %eq3A_514 : vector<2560x128xi1> to vector<2560x128xi32>
      %convert_element_type3A_516 = arith.sitofp %convert_element_type3A_515 : vector<2560x128xi32> to vector<2560x128xf32>
      %swap3A_517 = arith.constant 0 : index
      %swap3A_518 = arith.constant 0 : index
      %swap3A_519 = vector.load %arg11[%swap3A_517, %swap3A_518] : memref<2560x128xf32, #tpu.memory_space<vmem>>, vector<2560x128xf32>
      tpu.vector_store %arg11[%swap3A_517, %swap3A_518], %convert_element_type3A_516 {strides = array<i32>} : memref<2560x128xf32, #tpu.memory_space<vmem>>, vector<2560x128xf32>,
      %iota3A_520 = tpu.iota {dimensions = array<i32: 0>} : vector<128x2560xi32>
      %iota3A_521 = tpu.iota {dimensions = array<i32: 1>} : vector<128x2560xi32>
      %jit3A_522 = arith.constant 20 : i32
      %div3A_523 = vector.broadcast %jit3A_522 : i32 to vector<128x2560xi32>
      %div3A_524 = arith.divsi %iota3A_521, %div3A_523 : vector<128x2560xi32>
      %sign3A_525 = arith.constant 0 : i32
      %sign3A_526 = vector.broadcast %sign3A_525 : i32 to vector<128x2560xi32>
      %sign3A_527 = arith.cmpi sgt, %iota3A_521, %sign3A_526 : vector<128x2560xi32>
      %sign3A_528 = arith.extui %sign3A_527 : vector<128x2560xi1> to vector<128x2560xi32>
      %sign3A_529 = arith.constant 0 : i32
      %sign3A_530 = vector.broadcast %sign3A_529 : i32 to vector<128x2560xi32>
      %sign3A_531 = arith.cmpi slt, %iota3A_521, %sign3A_530 : vector<128x2560xi32>
      %sign3A_532 = arith.extui %sign3A_531 : vector<128x2560xi1> to vector<128x2560xi32>
      %sign3A_533 = arith.subi %sign3A_528, %sign3A_532 : vector<128x2560xi32>
      %sign3A_534 = arith.constant 0 : i32
      %sign3A_535 = arith.cmpi sgt, %jit3A_522, %sign3A_534 : i32
      %sign3A_536 = arith.extui %sign3A_535 : i1 to i32
      %sign3A_537 = arith.constant 0 : i32
      %sign3A_538 = arith.cmpi slt, %jit3A_522, %sign3A_537 : i32
      %sign3A_539 = arith.extui %sign3A_538 : i1 to i32
      %sign3A_540 = arith.subi %sign3A_536, %sign3A_539 : i32
      %ne3A_541 = vector.broadcast %sign3A_540 : i32 to vector<128x2560xi32>
      %ne3A_542 = arith.cmpi ne, %sign3A_533, %ne3A_541 : vector<128x2560xi32>
      %rem3A_543 = vector.broadcast %jit3A_522 : i32 to vector<128x2560xi32>
      %rem3A_544 = arith.remsi %iota3A_521, %rem3A_543 : vector<128x2560xi32>
      %ne3A_545 = arith.constant 0 : i32
      %ne3A_546 = vector.broadcast %ne3A_545 : i32 to vector<128x2560xi32>
      %ne3A_547 = arith.cmpi ne, %rem3A_544, %ne3A_546 : vector<128x2560xi32>
      %and3A_548 = arith.andi %ne3A_542, %ne3A_547 : vector<128x2560xi1>
      %sub3A_549 = arith.constant 1 : i32
      %sub3A_550 = vector.broadcast %sub3A_549 : i32 to vector<128x2560xi32>
      %sub3A_551 = arith.subi %div3A_524, %sub3A_550 : vector<128x2560xi32>
      %select_n3A_552 = arith.select %and3A_548, %sub3A_551, %div3A_524 : vector<128x2560xi1>, vector<128x2560xi32>
      %eq3A_553 = arith.cmpi eq, %select_n3A_552, %iota3A_520 : vector<128x2560xi32>
      %convert_element_type3A_554 = arith.extui %eq3A_553 : vector<128x2560xi1> to vector<128x2560xi32>
      %convert_element_type3A_555 = arith.sitofp %convert_element_type3A_554 : vector<128x2560xi32> to vector<128x2560xf32>
      %swap3A_556 = arith.constant 0 : index
      %swap3A_557 = arith.constant 0 : index
      %swap3A_558 = vector.load %arg12[%swap3A_556, %swap3A_557] : memref<128x2560xf32, #tpu.memory_space<vmem>>, vector<128x2560xf32>
      tpu.vector_store %arg12[%swap3A_556, %swap3A_557], %convert_element_type3A_555 {strides = array<i32>} : memref<128x2560xf32, #tpu.memory_space<vmem>>, vector<128x2560xf32>,
    } else {
    }
    %get3A = arith.constant 0 : index
    %get3A_4 = arith.constant 0 : index
    %get3A_5 = arith.constant 0 : index
    %get3A_6 = vector.load %arg3[%get3A, %get3A_4, %get3A_5] : memref<1x64x2560xf32, #tpu.memory_space<vmem>>, vector<1x64x2560xf32>
    %get3A_7 = vector.shape_cast %get3A_6 : vector<1x64x2560xf32> to vector<64x2560xf32>
    %get3A_8 = arith.constant 0 : index
    %get3A_9 = arith.constant 0 : index
    %get3A_10 = arith.constant 0 : index
    %get3A_11 = vector.load %arg4[%get3A_8, %get3A_9, %get3A_10] : memref<1x64x2560xf32, #tpu.memory_space<vmem>>, vector<1x64x2560xf32>
    %get3A_12 = vector.shape_cast %get3A_11 : vector<1x64x2560xf32> to vector<64x2560xf32>
    %get3A_13 = arith.index_cast %arg0 : i32 to index
    %get3A_14 = memref.load %arg2[%get3A_13] : memref<128xf32, #tpu.memory_space<smem>>
    %mul3A = vector.broadcast %get3A_14 : f32 to vector<64x2560xf32>
    %mul3A_15 = arith.mulf %get3A_12, %mul3A : vector<64x2560xf32>
    %add3A = arith.addf %get3A_7, %mul3A_15 : vector<64x2560xf32>
    %jit3A = arith.constant 0.000000e+00 : f32
    %jit3A_16 = arith.constant 1.000000e+00 : f32
    %max3A = vector.broadcast %jit3A : f32 to vector<64x2560xf32>
    %max3A_17 = arith.maximumf %max3A, %add3A : vector<64x2560xf32>
    %min3A = vector.broadcast %jit3A_16 : f32 to vector<64x2560xf32>
    %min3A_18 = arith.minimumf %min3A, %max3A_17 : vector<64x2560xf32>
    %add3A_19 = arith.constant 9.99999993E-9 : f32
    %add3A_20 = vector.broadcast %add3A_19 : f32 to vector<64x2560xf32>
    %add3A_21 = arith.addf %min3A_18, %add3A_20 : vector<64x2560xf32>
    %log3A = math.log %add3A_21 : vector<64x2560xf32>
    %get3A_22 = arith.constant 0 : index
    %get3A_23 = arith.constant 0 : index
    %get3A_24 = vector.load %arg9[%get3A_22, %get3A_23] : memref<64x2560xi32, #tpu.memory_space<vmem>>, vector<64x2560xi32>
    %iota3A = tpu.iota {dimensions = array<i32: 0>} : vector<64x2560xi32>
    %iota3A_25 = tpu.iota {dimensions = array<i32: 1>} : vector<64x2560xi32>
    %mul3A_26 = arith.constant 64 : i32
    %mul3A_27 = arith.muli %arg0, %mul3A_26 : i32
    %mul3A_28 = arith.constant 64 : i32
    %mul3A_29 = arith.muli %arg1, %mul3A_28 : i32
    %add3A_30 = arith.addi %mul3A_27, %mul3A_29 : i32
    %add3A_31 = vector.broadcast %add3A_30 : i32 to vector<64x2560xi32>
    %add3A_32 = arith.addi %add3A_31, %iota3A : vector<64x2560xi32>
    %mul3A_33 = arith.constant 2560 : i32
    %mul3A_34 = vector.broadcast %mul3A_33 : i32 to vector<64x2560xi32>
    %mul3A_35 = arith.muli %add3A_32, %mul3A_34 : vector<64x2560xi32>
    %add3A_36 = arith.addi %mul3A_35, %iota3A_25 : vector<64x2560xi32>
    %add3A_37 = arith.constant 42 : i32
    %add3A_38 = vector.broadcast %add3A_37 : i32 to vector<64x2560xi32>
    %add3A_39 = arith.addi %add3A_36, %add3A_38 : vector<64x2560xi32>
    %shift_left3A = arith.constant 13 : i32
    %shift_left3A_40 = vector.broadcast %shift_left3A : i32 to vector<64x2560xi32>
    %shift_left3A_41 = arith.shli %add3A_39, %shift_left3A_40 : vector<64x2560xi32>
    %shift_right_logical3A = arith.constant 19 : i32
    %shift_right_logical3A_42 = vector.broadcast %shift_right_logical3A : i32 to vector<64x2560xi32>
    %shift_right_logical3A_43 = arith.shrui %add3A_39, %shift_right_logical3A_42 : vector<64x2560xi32>
    %or3A = arith.ori %shift_left3A_41, %shift_right_logical3A_43 : vector<64x2560xi32>
    %xor3A = arith.xori %or3A, %add3A_39 : vector<64x2560xi32>
    %add3A_44 = arith.addi %add3A_39, %xor3A : vector<64x2560xi32>
    %shift_left3A_45 = arith.constant 15 : i32
    %shift_left3A_46 = vector.broadcast %shift_left3A_45 : i32 to vector<64x2560xi32>
    %shift_left3A_47 = arith.shli %xor3A, %shift_left3A_46 : vector<64x2560xi32>
    %shift_right_logical3A_48 = arith.constant 17 : i32
    %shift_right_logical3A_49 = vector.broadcast %shift_right_logical3A_48 : i32 to vector<64x2560xi32>
    %shift_right_logical3A_50 = arith.shrui %xor3A, %shift_right_logical3A_49 : vector<64x2560xi32>
    %or3A_51 = arith.ori %shift_left3A_47, %shift_right_logical3A_50 : vector<64x2560xi32>
    %xor3A_52 = arith.xori %or3A_51, %add3A_44 : vector<64x2560xi32>
    %add3A_53 = arith.addi %add3A_44, %xor3A_52 : vector<64x2560xi32>
    %shift_left3A_54 = arith.constant 26 : i32
    %shift_left3A_55 = vector.broadcast %shift_left3A_54 : i32 to vector<64x2560xi32>
    %shift_left3A_56 = arith.shli %xor3A_52, %shift_left3A_55 : vector<64x2560xi32>
    %shift_right_logical3A_57 = arith.constant 6 : i32
    %shift_right_logical3A_58 = vector.broadcast %shift_right_logical3A_57 : i32 to vector<64x2560xi32>
    %shift_right_logical3A_59 = arith.shrui %xor3A_52, %shift_right_logical3A_58 : vector<64x2560xi32>
    %or3A_60 = arith.ori %shift_left3A_56, %shift_right_logical3A_59 : vector<64x2560xi32>
    %xor3A_61 = arith.xori %or3A_60, %add3A_53 : vector<64x2560xi32>
    %add3A_62 = arith.addi %add3A_53, %xor3A_61 : vector<64x2560xi32>
    %shift_left3A_63 = arith.constant 6 : i32
    %shift_left3A_64 = vector.broadcast %shift_left3A_63 : i32 to vector<64x2560xi32>
    %shift_left3A_65 = arith.shli %xor3A_61, %shift_left3A_64 : vector<64x2560xi32>
    %shift_right_logical3A_66 = arith.constant 26 : i32
    %shift_right_logical3A_67 = vector.broadcast %shift_right_logical3A_66 : i32 to vector<64x2560xi32>
    %shift_right_logical3A_68 = arith.shrui %xor3A_61, %shift_right_logical3A_67 : vector<64x2560xi32>
    %or3A_69 = arith.ori %shift_left3A_65, %shift_right_logical3A_68 : vector<64x2560xi32>
    %xor3A_70 = arith.xori %or3A_69, %add3A_62 : vector<64x2560xi32>
    %add3A_71 = arith.constant 42 : i32
    %add3A_72 = vector.broadcast %add3A_71 : i32 to vector<64x2560xi32>
    %add3A_73 = arith.addi %add3A_62, %add3A_72 : vector<64x2560xi32>
    %add3A_74 = arith.constant 466689008 : i32
    %add3A_75 = vector.broadcast %add3A_74 : i32 to vector<64x2560xi32>
    %add3A_76 = arith.addi %xor3A_70, %add3A_75 : vector<64x2560xi32>
    %add3A_77 = arith.constant 1 : i32
    %add3A_78 = vector.broadcast %add3A_77 : i32 to vector<64x2560xi32>
    %add3A_79 = arith.addi %add3A_76, %add3A_78 : vector<64x2560xi32>
    %add3A_80 = arith.addi %add3A_73, %add3A_79 : vector<64x2560xi32>
    %shift_left3A_81 = arith.constant 17 : i32
    %shift_left3A_82 = vector.broadcast %shift_left3A_81 : i32 to vector<64x2560xi32>
    %shift_left3A_83 = arith.shli %add3A_79, %shift_left3A_82 : vector<64x2560xi32>
    %shift_right_logical3A_84 = arith.constant 15 : i32
    %shift_right_logical3A_85 = vector.broadcast %shift_right_logical3A_84 : i32 to vector<64x2560xi32>
    %shift_right_logical3A_86 = arith.shrui %add3A_79, %shift_right_logical3A_85 : vector<64x2560xi32>
    %or3A_87 = arith.ori %shift_left3A_83, %shift_right_logical3A_86 : vector<64x2560xi32>
    %xor3A_88 = arith.xori %or3A_87, %add3A_80 : vector<64x2560xi32>
    %add3A_89 = arith.addi %add3A_80, %xor3A_88 : vector<64x2560xi32>
    %shift_left3A_90 = arith.constant 29 : i32
    %shift_left3A_91 = vector.broadcast %shift_left3A_90 : i32 to vector<64x2560xi32>
    %shift_left3A_92 = arith.shli %xor3A_88, %shift_left3A_91 : vector<64x2560xi32>
    %shift_right_logical3A_93 = arith.constant 3 : i32
    %shift_right_logical3A_94 = vector.broadcast %shift_right_logical3A_93 : i32 to vector<64x2560xi32>
    %shift_right_logical3A_95 = arith.shrui %xor3A_88, %shift_right_logical3A_94 : vector<64x2560xi32>
    %or3A_96 = arith.ori %shift_left3A_92, %shift_right_logical3A_95 : vector<64x2560xi32>
    %xor3A_97 = arith.xori %or3A_96, %add3A_89 : vector<64x2560xi32>
    %add3A_98 = arith.addi %add3A_89, %xor3A_97 : vector<64x2560xi32>
    %shift_left3A_99 = arith.constant 16 : i32
    %shift_left3A_100 = vector.broadcast %shift_left3A_99 : i32 to vector<64x2560xi32>
    %shift_left3A_101 = arith.shli %xor3A_97, %shift_left3A_100 : vector<64x2560xi32>
    %shift_right_logical3A_102 = arith.constant 16 : i32
    %shift_right_logical3A_103 = vector.broadcast %shift_right_logical3A_102 : i32 to vector<64x2560xi32>
    %shift_right_logical3A_104 = arith.shrui %xor3A_97, %shift_right_logical3A_103 : vector<64x2560xi32>
    %or3A_105 = arith.ori %shift_left3A_101, %shift_right_logical3A_104 : vector<64x2560xi32>
    %xor3A_106 = arith.xori %or3A_105, %add3A_98 : vector<64x2560xi32>
    %add3A_107 = arith.addi %add3A_98, %xor3A_106 : vector<64x2560xi32>
    %shift_left3A_108 = arith.constant 24 : i32
    %shift_left3A_109 = vector.broadcast %shift_left3A_108 : i32 to vector<64x2560xi32>
    %shift_left3A_110 = arith.shli %xor3A_106, %shift_left3A_109 : vector<64x2560xi32>
    %shift_right_logical3A_111 = arith.constant 8 : i32
    %shift_right_logical3A_112 = vector.broadcast %shift_right_logical3A_111 : i32 to vector<64x2560xi32>
    %shift_right_logical3A_113 = arith.shrui %xor3A_106, %shift_right_logical3A_112 : vector<64x2560xi32>
    %or3A_114 = arith.ori %shift_left3A_110, %shift_right_logical3A_113 : vector<64x2560xi32>
    %xor3A_115 = arith.xori %or3A_114, %add3A_107 : vector<64x2560xi32>
    %add3A_116 = arith.constant 466689008 : i32
    %add3A_117 = vector.broadcast %add3A_116 : i32 to vector<64x2560xi32>
    %add3A_118 = arith.addi %add3A_107, %add3A_117 : vector<64x2560xi32>
    %add3A_119 = arith.constant 0 : i32
    %add3A_120 = vector.broadcast %add3A_119 : i32 to vector<64x2560xi32>
    %add3A_121 = arith.addi %xor3A_115, %add3A_120 : vector<64x2560xi32>
    %add3A_122 = arith.constant 2 : i32
    %add3A_123 = vector.broadcast %add3A_122 : i32 to vector<64x2560xi32>
    %add3A_124 = arith.addi %add3A_121, %add3A_123 : vector<64x2560xi32>
    %add3A_125 = arith.addi %add3A_118, %add3A_124 : vector<64x2560xi32>
    %shift_left3A_126 = arith.constant 13 : i32
    %shift_left3A_127 = vector.broadcast %shift_left3A_126 : i32 to vector<64x2560xi32>
    %shift_left3A_128 = arith.shli %add3A_124, %shift_left3A_127 : vector<64x2560xi32>
    %shift_right_logical3A_129 = arith.constant 19 : i32
    %shift_right_logical3A_130 = vector.broadcast %shift_right_logical3A_129 : i32 to vector<64x2560xi32>
    %shift_right_logical3A_131 = arith.shrui %add3A_124, %shift_right_logical3A_130 : vector<64x2560xi32>
    %or3A_132 = arith.ori %shift_left3A_128, %shift_right_logical3A_131 : vector<64x2560xi32>
    %xor3A_133 = arith.xori %or3A_132, %add3A_125 : vector<64x2560xi32>
    %add3A_134 = arith.addi %add3A_125, %xor3A_133 : vector<64x2560xi32>
    %shift_left3A_135 = arith.constant 15 : i32
    %shift_left3A_136 = vector.broadcast %shift_left3A_135 : i32 to vector<64x2560xi32>
    %shift_left3A_137 = arith.shli %xor3A_133, %shift_left3A_136 : vector<64x2560xi32>
    %shift_right_logical3A_138 = arith.constant 17 : i32
    %shift_right_logical3A_139 = vector.broadcast %shift_right_logical3A_138 : i32 to vector<64x2560xi32>
    %shift_right_logical3A_140 = arith.shrui %xor3A_133, %shift_right_logical3A_139 : vector<64x2560xi32>
    %or3A_141 = arith.ori %shift_left3A_137, %shift_right_logical3A_140 : vector<64x2560xi32>
    %xor3A_142 = arith.xori %or3A_141, %add3A_134 : vector<64x2560xi32>
    %add3A_143 = arith.addi %add3A_134, %xor3A_142 : vector<64x2560xi32>
    %shift_left3A_144 = arith.constant 26 : i32
    %shift_left3A_145 = vector.broadcast %shift_left3A_144 : i32 to vector<64x2560xi32>
    %shift_left3A_146 = arith.shli %xor3A_142, %shift_left3A_145 : vector<64x2560xi32>
    %shift_right_logical3A_147 = arith.constant 6 : i32
    %shift_right_logical3A_148 = vector.broadcast %shift_right_logical3A_147 : i32 to vector<64x2560xi32>
    %shift_right_logical3A_149 = arith.shrui %xor3A_142, %shift_right_logical3A_148 : vector<64x2560xi32>
    %or3A_150 = arith.ori %shift_left3A_146, %shift_right_logical3A_149 : vector<64x2560xi32>
    %xor3A_151 = arith.xori %or3A_150, %add3A_143 : vector<64x2560xi32>
    %add3A_152 = arith.addi %add3A_143, %xor3A_151 : vector<64x2560xi32>
    %shift_left3A_153 = arith.constant 6 : i32
    %shift_left3A_154 = vector.broadcast %shift_left3A_153 : i32 to vector<64x2560xi32>
    %shift_left3A_155 = arith.shli %xor3A_151, %shift_left3A_154 : vector<64x2560xi32>
    %shift_right_logical3A_156 = arith.constant 26 : i32
    %shift_right_logical3A_157 = vector.broadcast %shift_right_logical3A_156 : i32 to vector<64x2560xi32>
    %shift_right_logical3A_158 = arith.shrui %xor3A_151, %shift_right_logical3A_157 : vector<64x2560xi32>
    %or3A_159 = arith.ori %shift_left3A_155, %shift_right_logical3A_158 : vector<64x2560xi32>
    %xor3A_160 = arith.xori %or3A_159, %add3A_152 : vector<64x2560xi32>
    %add3A_161 = arith.constant 0 : i32
    %add3A_162 = vector.broadcast %add3A_161 : i32 to vector<64x2560xi32>
    %add3A_163 = arith.addi %add3A_152, %add3A_162 : vector<64x2560xi32>
    %add3A_164 = arith.constant 42 : i32
    %add3A_165 = vector.broadcast %add3A_164 : i32 to vector<64x2560xi32>
    %add3A_166 = arith.addi %xor3A_160, %add3A_165 : vector<64x2560xi32>
    %add3A_167 = arith.constant 3 : i32
    %add3A_168 = vector.broadcast %add3A_167 : i32 to vector<64x2560xi32>
    %add3A_169 = arith.addi %add3A_166, %add3A_168 : vector<64x2560xi32>
    %add3A_170 = arith.addi %add3A_163, %add3A_169 : vector<64x2560xi32>
    %shift_left3A_171 = arith.constant 17 : i32
    %shift_left3A_172 = vector.broadcast %shift_left3A_171 : i32 to vector<64x2560xi32>
    %shift_left3A_173 = arith.shli %add3A_169, %shift_left3A_172 : vector<64x2560xi32>
    %shift_right_logical3A_174 = arith.constant 15 : i32
    %shift_right_logical3A_175 = vector.broadcast %shift_right_logical3A_174 : i32 to vector<64x2560xi32>
    %shift_right_logical3A_176 = arith.shrui %add3A_169, %shift_right_logical3A_175 : vector<64x2560xi32>
    %or3A_177 = arith.ori %shift_left3A_173, %shift_right_logical3A_176 : vector<64x2560xi32>
    %xor3A_178 = arith.xori %or3A_177, %add3A_170 : vector<64x2560xi32>
    %add3A_179 = arith.addi %add3A_170, %xor3A_178 : vector<64x2560xi32>
    %shift_left3A_180 = arith.constant 29 : i32
    %shift_left3A_181 = vector.broadcast %shift_left3A_180 : i32 to vector<64x2560xi32>
    %shift_left3A_182 = arith.shli %xor3A_178, %shift_left3A_181 : vector<64x2560xi32>
    %shift_right_logical3A_183 = arith.constant 3 : i32
    %shift_right_logical3A_184 = vector.broadcast %shift_right_logical3A_183 : i32 to vector<64x2560xi32>
    %shift_right_logical3A_185 = arith.shrui %xor3A_178, %shift_right_logical3A_184 : vector<64x2560xi32>
    %or3A_186 = arith.ori %shift_left3A_182, %shift_right_logical3A_185 : vector<64x2560xi32>
    %xor3A_187 = arith.xori %or3A_186, %add3A_179 : vector<64x2560xi32>
    %add3A_188 = arith.addi %add3A_179, %xor3A_187 : vector<64x2560xi32>
    %shift_left3A_189 = arith.constant 16 : i32
    %shift_left3A_190 = vector.broadcast %shift_left3A_189 : i32 to vector<64x2560xi32>
    %shift_left3A_191 = arith.shli %xor3A_187, %shift_left3A_190 : vector<64x2560xi32>
    %shift_right_logical3A_192 = arith.constant 16 : i32
    %shift_right_logical3A_193 = vector.broadcast %shift_right_logical3A_192 : i32 to vector<64x2560xi32>
    %shift_right_logical3A_194 = arith.shrui %xor3A_187, %shift_right_logical3A_193 : vector<64x2560xi32>
    %or3A_195 = arith.ori %shift_left3A_191, %shift_right_logical3A_194 : vector<64x2560xi32>
    %xor3A_196 = arith.xori %or3A_195, %add3A_188 : vector<64x2560xi32>
    %add3A_197 = arith.addi %add3A_188, %xor3A_196 : vector<64x2560xi32>
    %shift_left3A_198 = arith.constant 24 : i32
    %shift_left3A_199 = vector.broadcast %shift_left3A_198 : i32 to vector<64x2560xi32>
    %shift_left3A_200 = arith.shli %xor3A_196, %shift_left3A_199 : vector<64x2560xi32>
    %shift_right_logical3A_201 = arith.constant 8 : i32
    %shift_right_logical3A_202 = vector.broadcast %shift_right_logical3A_201 : i32 to vector<64x2560xi32>
    %shift_right_logical3A_203 = arith.shrui %xor3A_196, %shift_right_logical3A_202 : vector<64x2560xi32>
    %or3A_204 = arith.ori %shift_left3A_200, %shift_right_logical3A_203 : vector<64x2560xi32>
    %xor3A_205 = arith.xori %or3A_204, %add3A_197 : vector<64x2560xi32>
    %add3A_206 = arith.constant 42 : i32
    %add3A_207 = vector.broadcast %add3A_206 : i32 to vector<64x2560xi32>
    %add3A_208 = arith.addi %add3A_197, %add3A_207 : vector<64x2560xi32>
    %add3A_209 = arith.constant 466689008 : i32
    %add3A_210 = vector.broadcast %add3A_209 : i32 to vector<64x2560xi32>
    %add3A_211 = arith.addi %xor3A_205, %add3A_210 : vector<64x2560xi32>
    %add3A_212 = arith.constant 4 : i32
    %add3A_213 = vector.broadcast %add3A_212 : i32 to vector<64x2560xi32>
    %add3A_214 = arith.addi %add3A_211, %add3A_213 : vector<64x2560xi32>
    %add3A_215 = arith.addi %add3A_208, %add3A_214 : vector<64x2560xi32>
    %shift_left3A_216 = arith.constant 13 : i32
    %shift_left3A_217 = vector.broadcast %shift_left3A_216 : i32 to vector<64x2560xi32>
    %shift_left3A_218 = arith.shli %add3A_214, %shift_left3A_217 : vector<64x2560xi32>
    %shift_right_logical3A_219 = arith.constant 19 : i32
    %shift_right_logical3A_220 = vector.broadcast %shift_right_logical3A_219 : i32 to vector<64x2560xi32>
    %shift_right_logical3A_221 = arith.shrui %add3A_214, %shift_right_logical3A_220 : vector<64x2560xi32>
    %or3A_222 = arith.ori %shift_left3A_218, %shift_right_logical3A_221 : vector<64x2560xi32>
    %xor3A_223 = arith.xori %or3A_222, %add3A_215 : vector<64x2560xi32>
    %add3A_224 = arith.addi %add3A_215, %xor3A_223 : vector<64x2560xi32>
    %shift_left3A_225 = arith.constant 15 : i32
    %shift_left3A_226 = vector.broadcast %shift_left3A_225 : i32 to vector<64x2560xi32>
    %shift_left3A_227 = arith.shli %xor3A_223, %shift_left3A_226 : vector<64x2560xi32>
    %shift_right_logical3A_228 = arith.constant 17 : i32
    %shift_right_logical3A_229 = vector.broadcast %shift_right_logical3A_228 : i32 to vector<64x2560xi32>
    %shift_right_logical3A_230 = arith.shrui %xor3A_223, %shift_right_logical3A_229 : vector<64x2560xi32>
    %or3A_231 = arith.ori %shift_left3A_227, %shift_right_logical3A_230 : vector<64x2560xi32>
    %xor3A_232 = arith.xori %or3A_231, %add3A_224 : vector<64x2560xi32>
    %add3A_233 = arith.addi %add3A_224, %xor3A_232 : vector<64x2560xi32>
    %shift_left3A_234 = arith.constant 26 : i32
    %shift_left3A_235 = vector.broadcast %shift_left3A_234 : i32 to vector<64x2560xi32>
    %shift_left3A_236 = arith.shli %xor3A_232, %shift_left3A_235 : vector<64x2560xi32>
    %shift_right_logical3A_237 = arith.constant 6 : i32
    %shift_right_logical3A_238 = vector.broadcast %shift_right_logical3A_237 : i32 to vector<64x2560xi32>
    %shift_right_logical3A_239 = arith.shrui %xor3A_232, %shift_right_logical3A_238 : vector<64x2560xi32>
    %or3A_240 = arith.ori %shift_left3A_236, %shift_right_logical3A_239 : vector<64x2560xi32>
    %xor3A_241 = arith.xori %or3A_240, %add3A_233 : vector<64x2560xi32>
    %add3A_242 = arith.addi %add3A_233, %xor3A_241 : vector<64x2560xi32>
    %shift_left3A_243 = arith.constant 6 : i32
    %shift_left3A_244 = vector.broadcast %shift_left3A_243 : i32 to vector<64x2560xi32>
    %shift_left3A_245 = arith.shli %xor3A_241, %shift_left3A_244 : vector<64x2560xi32>
    %shift_right_logical3A_246 = arith.constant 26 : i32
    %shift_right_logical3A_247 = vector.broadcast %shift_right_logical3A_246 : i32 to vector<64x2560xi32>
    %shift_right_logical3A_248 = arith.shrui %xor3A_241, %shift_right_logical3A_247 : vector<64x2560xi32>
    %or3A_249 = arith.ori %shift_left3A_245, %shift_right_logical3A_248 : vector<64x2560xi32>
    %xor3A_250 = arith.xori %or3A_249, %add3A_242 : vector<64x2560xi32>
    %add3A_251 = arith.constant 466689008 : i32
    %add3A_252 = vector.broadcast %add3A_251 : i32 to vector<64x2560xi32>
    %add3A_253 = arith.addi %add3A_242, %add3A_252 : vector<64x2560xi32>
    %add3A_254 = arith.constant 0 : i32
    %add3A_255 = vector.broadcast %add3A_254 : i32 to vector<64x2560xi32>
    %add3A_256 = arith.addi %xor3A_250, %add3A_255 : vector<64x2560xi32>
    %add3A_257 = arith.constant 5 : i32
    %add3A_258 = vector.broadcast %add3A_257 : i32 to vector<64x2560xi32>
    %add3A_259 = arith.addi %add3A_256, %add3A_258 : vector<64x2560xi32>
    %xor3A_260 = arith.xori %add3A_253, %add3A_259 : vector<64x2560xi32>
    %shift_right_logical3A_261 = arith.constant 9 : i32
    %shift_right_logical3A_262 = vector.broadcast %shift_right_logical3A_261 : i32 to vector<64x2560xi32>
    %shift_right_logical3A_263 = arith.shrui %xor3A_260, %shift_right_logical3A_262 : vector<64x2560xi32>
    %or3A_264 = arith.constant 1065353216 : i32
    %or3A_265 = vector.broadcast %or3A_264 : i32 to vector<64x2560xi32>
    %or3A_266 = arith.ori %shift_right_logical3A_263, %or3A_265 : vector<64x2560xi32>
    %bitcast_convert_type3A = tpu.bitcast %or3A_266 : vector<64x2560xi32> -> vector<64x2560xf32>
    %sub3A = arith.constant 1.000000e+00 : f32
    %sub3A_267 = vector.broadcast %sub3A : f32 to vector<64x2560xf32>
    %sub3A_268 = arith.subf %bitcast_convert_type3A, %sub3A_267 : vector<64x2560xf32>
    %add3A_269 = arith.constant 1.17549435E-38 : f32
    %add3A_270 = vector.broadcast %add3A_269 : f32 to vector<64x2560xf32>
    %add3A_271 = arith.addf %sub3A_268, %add3A_270 : vector<64x2560xf32>
    %max3A_272 = arith.constant 1.17549435E-38 : f32
    %max3A_273 = vector.broadcast %max3A_272 : f32 to vector<64x2560xf32>
    %max3A_274 = arith.maximumf %max3A_273, %add3A_271 : vector<64x2560xf32>
    %log3A_275 = math.log %max3A_274 : vector<64x2560xf32>
    %neg3A = arith.constant 0.000000e+00 : f32
    %neg3A_276 = vector.broadcast %neg3A : f32 to vector<64x2560xf32>
    %neg3A_277 = arith.subf %neg3A_276, %log3A_275 : vector<64x2560xf32>
    %log3A_278 = math.log %neg3A_277 : vector<64x2560xf32>
    %neg3A_279 = arith.constant 0.000000e+00 : f32
    %neg3A_280 = vector.broadcast %neg3A_279 : f32 to vector<64x2560xf32>
    %neg3A_281 = arith.subf %neg3A_280, %log3A_278 : vector<64x2560xf32>
    %add3A_282 = arith.addf %log3A, %neg3A_281 : vector<64x2560xf32>
    %roll3A = arith.constant 2559 : i32
    %roll3A_283 = tpu.dynamic_rotate %add3A_282 by %roll3A dim 1 : vector<64x2560xf32>, i32 -> vector<64x2560xf32>
    %add3A_284 = arith.constant 1 : i32
    %add3A_285 = vector.broadcast %add3A_284 : i32 to vector<64x2560xi32>
    %add3A_286 = arith.addi %get3A_24, %add3A_285 : vector<64x2560xi32>
    %lt3A = arith.constant 20 : i32
    %lt3A_287 = vector.broadcast %lt3A : i32 to vector<64x2560xi32>
    %lt3A_288 = arith.cmpi slt, %add3A_286, %lt3A_287 : vector<64x2560xi32>
    %jit3A_289 = arith.constant 0xFF800000 : f32
    %broadcast_in_dim3A = vector.broadcast %jit3A_289 : f32 to vector<64x2560xf32>
    %select_n3A = arith.select %lt3A_288, %roll3A_283, %broadcast_in_dim3A : vector<64x2560xi1>, vector<64x2560xf32>
    %max3A_290 = arith.maximumf %add3A_282, %select_n3A : vector<64x2560xf32>
    %roll3A_291 = arith.constant 2558 : i32
    %roll3A_292 = tpu.dynamic_rotate %max3A_290 by %roll3A_291 dim 1 : vector<64x2560xf32>, i32 -> vector<64x2560xf32>
    %add3A_293 = arith.constant 2 : i32
    %add3A_294 = vector.broadcast %add3A_293 : i32 to vector<64x2560xi32>
    %add3A_295 = arith.addi %get3A_24, %add3A_294 : vector<64x2560xi32>
    %lt3A_296 = arith.constant 20 : i32
    %lt3A_297 = vector.broadcast %lt3A_296 : i32 to vector<64x2560xi32>
    %lt3A_298 = arith.cmpi slt, %add3A_295, %lt3A_297 : vector<64x2560xi32>
    %jit3A_299 = arith.constant 0xFF800000 : f32
    %broadcast_in_dim3A_300 = vector.broadcast %jit3A_299 : f32 to vector<64x2560xf32>
    %select_n3A_301 = arith.select %lt3A_298, %roll3A_292, %broadcast_in_dim3A_300 : vector<64x2560xi1>, vector<64x2560xf32>
    %max3A_302 = arith.maximumf %max3A_290, %select_n3A_301 : vector<64x2560xf32>
    %roll3A_303 = arith.constant 2556 : i32
    %roll3A_304 = tpu.dynamic_rotate %max3A_302 by %roll3A_303 dim 1 : vector<64x2560xf32>, i32 -> vector<64x2560xf32>
    %add3A_305 = arith.constant 4 : i32
    %add3A_306 = vector.broadcast %add3A_305 : i32 to vector<64x2560xi32>
    %add3A_307 = arith.addi %get3A_24, %add3A_306 : vector<64x2560xi32>
    %lt3A_308 = arith.constant 20 : i32
    %lt3A_309 = vector.broadcast %lt3A_308 : i32 to vector<64x2560xi32>
    %lt3A_310 = arith.cmpi slt, %add3A_307, %lt3A_309 : vector<64x2560xi32>
    %jit3A_311 = arith.constant 0xFF800000 : f32
    %broadcast_in_dim3A_312 = vector.broadcast %jit3A_311 : f32 to vector<64x2560xf32>
    %select_n3A_313 = arith.select %lt3A_310, %roll3A_304, %broadcast_in_dim3A_312 : vector<64x2560xi1>, vector<64x2560xf32>
    %max3A_314 = arith.maximumf %max3A_302, %select_n3A_313 : vector<64x2560xf32>
    %roll3A_315 = arith.constant 2552 : i32
    %roll3A_316 = tpu.dynamic_rotate %max3A_314 by %roll3A_315 dim 1 : vector<64x2560xf32>, i32 -> vector<64x2560xf32>
    %add3A_317 = arith.constant 8 : i32
    %add3A_318 = vector.broadcast %add3A_317 : i32 to vector<64x2560xi32>
    %add3A_319 = arith.addi %get3A_24, %add3A_318 : vector<64x2560xi32>
    %lt3A_320 = arith.constant 20 : i32
    %lt3A_321 = vector.broadcast %lt3A_320 : i32 to vector<64x2560xi32>
    %lt3A_322 = arith.cmpi slt, %add3A_319, %lt3A_321 : vector<64x2560xi32>
    %jit3A_323 = arith.constant 0xFF800000 : f32
    %broadcast_in_dim3A_324 = vector.broadcast %jit3A_323 : f32 to vector<64x2560xf32>
    %select_n3A_325 = arith.select %lt3A_322, %roll3A_316, %broadcast_in_dim3A_324 : vector<64x2560xi1>, vector<64x2560xf32>
    %max3A_326 = arith.maximumf %max3A_314, %select_n3A_325 : vector<64x2560xf32>
    %roll3A_327 = arith.constant 2544 : i32
    %roll3A_328 = tpu.dynamic_rotate %max3A_326 by %roll3A_327 dim 1 : vector<64x2560xf32>, i32 -> vector<64x2560xf32>
    %add3A_329 = arith.constant 16 : i32
    %add3A_330 = vector.broadcast %add3A_329 : i32 to vector<64x2560xi32>
    %add3A_331 = arith.addi %get3A_24, %add3A_330 : vector<64x2560xi32>
    %lt3A_332 = arith.constant 20 : i32
    %lt3A_333 = vector.broadcast %lt3A_332 : i32 to vector<64x2560xi32>
    %lt3A_334 = arith.cmpi slt, %add3A_331, %lt3A_333 : vector<64x2560xi32>
    %jit3A_335 = arith.constant 0xFF800000 : f32
    %broadcast_in_dim3A_336 = vector.broadcast %jit3A_335 : f32 to vector<64x2560xf32>
    %select_n3A_337 = arith.select %lt3A_334, %roll3A_328, %broadcast_in_dim3A_336 : vector<64x2560xi1>, vector<64x2560xf32>
    %max3A_338 = arith.maximumf %max3A_326, %select_n3A_337 : vector<64x2560xf32>
    %roll3A_339 = arith.constant 1 : i32
    %roll3A_340 = tpu.dynamic_rotate %max3A_338 by %roll3A_339 dim 1 : vector<64x2560xf32>, i32 -> vector<64x2560xf32>
    %sub3A_341 = arith.constant 1 : i32
    %sub3A_342 = vector.broadcast %sub3A_341 : i32 to vector<64x2560xi32>
    %sub3A_343 = arith.subi %get3A_24, %sub3A_342 : vector<64x2560xi32>
    %ge3A = arith.constant 0 : i32
    %ge3A_344 = vector.broadcast %ge3A : i32 to vector<64x2560xi32>
    %ge3A_345 = arith.cmpi sge, %sub3A_343, %ge3A_344 : vector<64x2560xi32>
    %jit3A_346 = arith.constant 0xFF800000 : f32
    %broadcast_in_dim3A_347 = vector.broadcast %jit3A_346 : f32 to vector<64x2560xf32>
    %select_n3A_348 = arith.select %ge3A_345, %roll3A_340, %broadcast_in_dim3A_347 : vector<64x2560xi1>, vector<64x2560xf32>
    %max3A_349 = arith.maximumf %max3A_338, %select_n3A_348 : vector<64x2560xf32>
    %roll3A_350 = arith.constant 2 : i32
    %roll3A_351 = tpu.dynamic_rotate %max3A_349 by %roll3A_350 dim 1 : vector<64x2560xf32>, i32 -> vector<64x2560xf32>
    %sub3A_352 = arith.constant 2 : i32
    %sub3A_353 = vector.broadcast %sub3A_352 : i32 to vector<64x2560xi32>
    %sub3A_354 = arith.subi %get3A_24, %sub3A_353 : vector<64x2560xi32>
    %ge3A_355 = arith.constant 0 : i32
    %ge3A_356 = vector.broadcast %ge3A_355 : i32 to vector<64x2560xi32>
    %ge3A_357 = arith.cmpi sge, %sub3A_354, %ge3A_356 : vector<64x2560xi32>
    %jit3A_358 = arith.constant 0xFF800000 : f32
    %broadcast_in_dim3A_359 = vector.broadcast %jit3A_358 : f32 to vector<64x2560xf32>
    %select_n3A_360 = arith.select %ge3A_357, %roll3A_351, %broadcast_in_dim3A_359 : vector<64x2560xi1>, vector<64x2560xf32>
    %max3A_361 = arith.maximumf %max3A_349, %select_n3A_360 : vector<64x2560xf32>
    %roll3A_362 = arith.constant 4 : i32
    %roll3A_363 = tpu.dynamic_rotate %max3A_361 by %roll3A_362 dim 1 : vector<64x2560xf32>, i32 -> vector<64x2560xf32>
    %sub3A_364 = arith.constant 4 : i32
    %sub3A_365 = vector.broadcast %sub3A_364 : i32 to vector<64x2560xi32>
    %sub3A_366 = arith.subi %get3A_24, %sub3A_365 : vector<64x2560xi32>
    %ge3A_367 = arith.constant 0 : i32
    %ge3A_368 = vector.broadcast %ge3A_367 : i32 to vector<64x2560xi32>
    %ge3A_369 = arith.cmpi sge, %sub3A_366, %ge3A_368 : vector<64x2560xi32>
    %jit3A_370 = arith.constant 0xFF800000 : f32
    %broadcast_in_dim3A_371 = vector.broadcast %jit3A_370 : f32 to vector<64x2560xf32>
    %select_n3A_372 = arith.select %ge3A_369, %roll3A_363, %broadcast_in_dim3A_371 : vector<64x2560xi1>, vector<64x2560xf32>
    %max3A_373 = arith.maximumf %max3A_361, %select_n3A_372 : vector<64x2560xf32>
    %roll3A_374 = arith.constant 8 : i32
    %roll3A_375 = tpu.dynamic_rotate %max3A_373 by %roll3A_374 dim 1 : vector<64x2560xf32>, i32 -> vector<64x2560xf32>
    %sub3A_376 = arith.constant 8 : i32
    %sub3A_377 = vector.broadcast %sub3A_376 : i32 to vector<64x2560xi32>
    %sub3A_378 = arith.subi %get3A_24, %sub3A_377 : vector<64x2560xi32>
    %ge3A_379 = arith.constant 0 : i32
    %ge3A_380 = vector.broadcast %ge3A_379 : i32 to vector<64x2560xi32>
    %ge3A_381 = arith.cmpi sge, %sub3A_378, %ge3A_380 : vector<64x2560xi32>
    %jit3A_382 = arith.constant 0xFF800000 : f32
    %broadcast_in_dim3A_383 = vector.broadcast %jit3A_382 : f32 to vector<64x2560xf32>
    %select_n3A_384 = arith.select %ge3A_381, %roll3A_375, %broadcast_in_dim3A_383 : vector<64x2560xi1>, vector<64x2560xf32>
    %max3A_385 = arith.maximumf %max3A_373, %select_n3A_384 : vector<64x2560xf32>
    %roll3A_386 = arith.constant 16 : i32
    %roll3A_387 = tpu.dynamic_rotate %max3A_385 by %roll3A_386 dim 1 : vector<64x2560xf32>, i32 -> vector<64x2560xf32>
    %sub3A_388 = arith.constant 16 : i32
    %sub3A_389 = vector.broadcast %sub3A_388 : i32 to vector<64x2560xi32>
    %sub3A_390 = arith.subi %get3A_24, %sub3A_389 : vector<64x2560xi32>
    %ge3A_391 = arith.constant 0 : i32
    %ge3A_392 = vector.broadcast %ge3A_391 : i32 to vector<64x2560xi32>
    %ge3A_393 = arith.cmpi sge, %sub3A_390, %ge3A_392 : vector<64x2560xi32>
    %jit3A_394 = arith.constant 0xFF800000 : f32
    %broadcast_in_dim3A_395 = vector.broadcast %jit3A_394 : f32 to vector<64x2560xf32>
    %select_n3A_396 = arith.select %ge3A_393, %roll3A_387, %broadcast_in_dim3A_395 : vector<64x2560xi1>, vector<64x2560xf32>
    %max3A_397 = arith.maximumf %max3A_385, %select_n3A_396 : vector<64x2560xf32>
    %eq3A_398 = arith.cmpf oeq, %add3A_282, %max3A_397 : vector<64x2560xf32>
    %get3A_399 = arith.constant 0 : index
    %get3A_400 = arith.constant 0 : index
    %get3A_401 = vector.load %arg10[%get3A_399, %get3A_400] : memref<64x2560xf32, #tpu.memory_space<vmem>>, vector<64x2560xf32>
    %jit3A_402 = arith.constant 0.000000e+00 : f32
    %broadcast_in_dim3A_403 = vector.broadcast %jit3A_402 : f32 to vector<64x2560xf32>
    %select_n3A_404 = arith.select %eq3A_398, %get3A_401, %broadcast_in_dim3A_403 : vector<64x2560xi1>, vector<64x2560xf32>
    %get3A_405 = arith.constant 0 : index
    %get3A_406 = arith.constant 0 : index
    %get3A_407 = vector.load %arg11[%get3A_405, %get3A_406] : memref<2560x128xf32, #tpu.memory_space<vmem>>, vector<2560x128xf32>
    %dot_general3A = arith.constant dense<0.000000e+00> : vector<64x128xf32>
    %dot_general3A_408 = tpu.matmul %select_n3A_404, %get3A_407, %dot_general3A {dimension_numbers = #tpu.dot_dimension_numbers<[1], [0], [0], [1], [0, 0, 1, 1], [], []>, transpose_lhs_hint = false} : vector<64x2560xf32>, vector<2560x128xf32>, vector<64x128xf32> -> vector<64x128xf32>
    %bitcast_convert_type3A_409 = tpu.bitcast %dot_general3A_408 : vector<64x128xf32> -> vector<64x128xi32>
    %shift_right_arithmetic3A = arith.constant 23 : i32
    %shift_right_arithmetic3A_410 = vector.broadcast %shift_right_arithmetic3A : i32 to vector<64x128xi32>
    %shift_right_arithmetic3A_411 = arith.shrsi %bitcast_convert_type3A_409, %shift_right_arithmetic3A_410 : vector<64x128xi32>
    %sub3A_412 = arith.constant 127 : i32
    %sub3A_413 = vector.broadcast %sub3A_412 : i32 to vector<64x128xi32>
    %sub3A_414 = arith.subi %sub3A_413, %shift_right_arithmetic3A_411 : vector<64x128xi32>
    %get3A_415 = arith.constant 0 : index
    %get3A_416 = arith.constant 0 : index
    %get3A_417 = arith.constant 0 : index
    %get3A_418 = vector.load %arg6[%get3A_415, %get3A_416, %get3A_417] : memref<1x64x128xi32, #tpu.memory_space<vmem>>, vector<1x64x128xi32>
    %get3A_419 = vector.shape_cast %get3A_418 : vector<1x64x128xi32> to vector<64x128xi32>
    %ne3A = arith.constant 0 : i32
    %ne3A_420 = vector.broadcast %ne3A : i32 to vector<64x128xi32>
    %ne3A_421 = arith.cmpi ne, %get3A_419, %ne3A_420 : vector<64x128xi32>
    %get3A_422 = arith.constant 0 : index
    %get3A_423 = arith.constant 0 : index
    %get3A_424 = arith.constant 0 : index
    %get3A_425 = vector.load %arg5[%get3A_422, %get3A_423, %get3A_424] : memref<1x64x128xi32, #tpu.memory_space<vmem>>, vector<1x64x128xi32>
    %get3A_426 = vector.shape_cast %get3A_425 : vector<1x64x128xi32> to vector<64x128xi32>
    %select_n3A_427 = arith.select %ne3A_421, %sub3A_414, %get3A_426 : vector<64x128xi1>, vector<64x128xi32>
    %swap3A = arith.constant 0 : index
    %swap3A_428 = arith.constant 0 : index
    %swap3A_429 = arith.constant 0 : index
    %swap3A_430 = vector.load %arg7[%swap3A, %swap3A_428, %swap3A_429] : memref<1x64x128xi32, #tpu.memory_space<vmem>>, vector<1x64x128xi32>
    %swap3A_431 = vector.shape_cast %swap3A_430 : vector<1x64x128xi32> to vector<64x128xi32>
    %swap3A_432 = vector.shape_cast %select_n3A_427 : vector<64x128xi32> to vector<1x64x128xi32>
    tpu.vector_store %arg7[%swap3A, %swap3A_428, %swap3A_429], %swap3A_432 {strides = array<i32>} : memref<1x64x128xi32, #tpu.memory_space<vmem>>, vector<1x64x128xi32>,
    %convert_element_type3A_433 = arith.sitofp %get3A_419 : vector<64x128xi32> to vector<64x128xf32>
    %get3A_434 = arith.constant 0 : index
    %get3A_435 = arith.constant 0 : index
    %get3A_436 = vector.load %arg12[%get3A_434, %get3A_435] : memref<128x2560xf32, #tpu.memory_space<vmem>>, vector<128x2560xf32>
    %dot_general3A_437 = arith.constant dense<0.000000e+00> : vector<64x2560xf32>
    %dot_general3A_438 = tpu.matmul %convert_element_type3A_433, %get3A_436, %dot_general3A_437 {dimension_numbers = #tpu.dot_dimension_numbers<[1], [0], [0], [1], [0, 0, 1, 1], [], []>, transpose_lhs_hint = false} : vector<64x128xf32>, vector<128x2560xf32>, vector<64x2560xf32> -> vector<64x2560xf32>
    %gt3A = arith.constant 5.000000e-01 : f32
    %gt3A_439 = vector.broadcast %gt3A : f32 to vector<64x2560xf32>
    %gt3A_440 = arith.cmpf ogt, %dot_general3A_438, %gt3A_439 : vector<64x2560xf32>
    %select_n3A_441 = arith.select %gt3A_440, %add3A, %get3A_7 : vector<64x2560xi1>, vector<64x2560xf32>
    %swap3A_442 = arith.constant 0 : index
    %swap3A_443 = arith.constant 0 : index
    %swap3A_444 = arith.constant 0 : index
    %swap3A_445 = vector.load %arg8[%swap3A_442, %swap3A_443, %swap3A_444] : memref<1x64x2560xf32, #tpu.memory_space<vmem>>, vector<1x64x2560xf32>
    %swap3A_446 = vector.shape_cast %swap3A_445 : vector<1x64x2560xf32> to vector<64x2560xf32>
    %swap3A_447 = vector.shape_cast %select_n3A_441 : vector<64x2560xf32> to vector<1x64x2560xf32>
    tpu.vector_store %arg8[%swap3A_442, %swap3A_443, %swap3A_444], %swap3A_447 {strides = array<i32>} : memref<1x64x2560xf32, #tpu.memory_space<vmem>>, vector<1x64x2560xf32>,
    return
  }
  func.func @transform_0(%arg0: i32, %arg1: i32) -> i32 {
    %c0_i32 = arith.constant 0 : i32
    %c0_i32_0 = arith.constant 0 : i32
    return %c0_i32 : i32
  }
  func.func @transform_1(%arg0: i32, %arg1: i32) -> (i32, i32, i32) {
    %c0_i32 = arith.constant 0 : i32
    %c0_i32_0 = arith.constant 0 : i32
    return %arg0, %arg1, %c0_i32 : i32, i32, i32
  }
  func.func @transform_2(%arg0: i32, %arg1: i32) -> (i32, i32, i32) {
    %c0_i32 = arith.constant 0 : i32
    %c0_i32_0 = arith.constant 0 : i32
    return %arg0, %arg1, %c0_i32 : i32, i32, i32
  }
  func.func @transform_3(%arg0: i32, %arg1: i32) -> (i32, i32, i32) {
    %c0_i32 = arith.constant 0 : i32
    %c0_i32_0 = arith.constant 0 : i32
    return %arg0, %arg1, %c0_i32 : i32, i32, i32
  }
  func.func @transform_4(%arg0: i32, %arg1: i32) -> (i32, i32, i32) {
    %c0_i32 = arith.constant 0 : i32
    %c0_i32_0 = arith.constant 0 : i32
    return %arg0, %arg1, %c0_i32 : i32, i32, i32
  }
  func.func @transform_5(%arg0: i32, %arg1: i32) -> (i32, i32, i32) {
    %c0_i32 = arith.constant 0 : i32
    %c0_i32_0 = arith.constant 0 : i32
    return %arg0, %arg1, %c0_i32 : i32, i32, i32
  }
  func.func @transform_6(%arg0: i32, %arg1: i32) -> (i32, i32, i32) {
    %c0_i32 = arith.constant 0 : i32
    %c0_i32_0 = arith.constant 0 : i32
    return %arg0, %arg1, %c0_i32 : i32, i32, i32
  }
}

</mosaic_0001>

<sc_bundles>
// kernel: sparse-core-data-format-call.cloned.1.call-start
scs
called_computation_lowered:
.L_overlay_start_0:
0x0: {  	s2 =	sld [smem:$0x3FD9]  }
0x1: {  	s3 =	sld [smem:$0x3FFE];
	_ =	sdelay $0x1  }
0x2: {  	s1 =	srdreg.scid  }
0x3: {  	s0 =	sand.u32 $0x1, s1  }
0x4: {  	s15 =	sshll.u32 s0, $0xA;
	s2 =	sadd.s32 s3, s2  }
0x5: {  	s2 =	sadd.s32 s2, s15  }
0x6: {  	[smem:$0x3FC3] =	sst s2  }
0x7: {  	_ = 	snop  }
0x8: {  	s2 =	sld [smem:$0x3FD0];
	_ =	sdelay $0x2  }
0x9: {  	s16 =	simm.s32 $0xA;
	s4 =	simm.s32 $0x10  }
0xa: {  	[smem:s4], [sflag:s16] =	dma.local [hbm:s2], $0x1  }
0xb: {  	_ =	swait.eq [sflag:s16], $0x1  }
0xc: {  	[sflag:s16] =	ssyncset.done $0x0  }
0xd: {  	[sflag:s16] =	ssyncadd.s32 $0xFFFFFFFF  }
0xe: {  	s17 =	sld [smem:$0x11];
	(tm) =	ssettm $0x1  }
0xf: {  	s18 =	sld [smem:$0x3FFB];
	_ =	sdelay $0x3  }
0x10: {  	_ =	strace s18  }
0x11: {  	s3 =	sld [smem:$0x3FFC];
	_ =	sdelay $0x3  }
0x12: {  	_ =	strace s3  }
0x13: {  	s3 =	sld [smem:$0x3FFD];
	_ =	sdelay $0x3  }
0x14: {  	_ =	strace s3  }
0x15: {  	_ =	strace $0x8FFFFFFF  }
0x16: {  	s19 =	sld [smem:$0x3FDB];
	_ =	sdelay $0x1  }
0x17: {  	s20 =	simm.s32 $_scs_section_size  }
0x18: {  	s5 =	simm.s32 $_size__tile_overlayer_lowered;
	s6 =	simm.s32 $_tile_overlayer_lowered  }
0x19: {  	s23 =	simm.s32 $0x1BFF;
	s22 =	sshll.u32 s6, $0x1;
	s3 =	sadd.s32 s20, s19  }
0x1a: {  	s7 =	simm.s32 $0x0;
	s21 =	sshll.u32 s5, $0x1;
	s5 =	sadd.s32 s22, s3  }
0x1b: {  	[timem:s7], [sflag:s23] =	dma.local [hbm:s5], s21  }
0x1c: {  	_ =	swait.ge [sflag:s23], s21  }
0x1d: {  	s4 =	ssub.s32 $0x0, s21;
	[sflag:s23] =	ssyncset.done $0x0  }
0x1e: {  	[sflag:s23] =	ssyncadd.s32 s4;
	_ =	sdelay $0x1  }
0x1f: {  	s24 =	simm.s32 $0x1B8B  }
0x20: {  	_ =	swait.ge [sflag:s24], $0x1  }
0x21: {  	[sflag:s24] =	ssyncset.done $0x0  }
0x22: {  	s26 =	simm.s32 $0x1B8E;
	s25 =	sld [smem:$0x3FFE];
	[sflag:s24] =	ssyncadd.s32 $0xFFFFFFFF  }
0x23: {  	s27 =	simm.s32 $execute0_lowered;
	[smem:$0x3FD2] =	sst s26  }
0x24: {  	s5 =	sshll.u32 s27, $0x1;
	_ =	strace $0x80000046;
	[dreg:$0x1] =	wrdreg $0xFFFFFFFF  }
0x25: {  	s28 =	simm.s32 $_size_execute0_lowered;
	s3 =	sadd.s32 s3, s5;
	[dreg:$0x0] =	wrdreg $0x0  }
0x26: {  	s5 =	sshll.u32 s28, $0x1;
	[dreg:$0x2] =	wrdreg s3  }
0x27: {  	[dreg:$0x3] =	wrdreg s5  }
0x28: {  	[dreg:$0x4] =	wrdreg $0xC0  }
0x29: {  	_ =	task [dreg:s7], $0x5FFFF  }
0x2a: {  	[dreg:$0x1] =	wrdreg $0xFFFFFFFF  }
0x2b: {  	[dreg:$0x0] =	wrdreg $0x60  }
0x2c: {  	[dreg:$0x2] =	wrdreg s25  }
0x2d: {  	[dreg:$0x3] =	wrdreg s17  }
0x2e: {  	[dreg:$0x4] =	wrdreg $0x9  }
0x2f: {  	_ =	task.clear_ibuf [dreg:s7], $0x5FFFF;
	_ =	strace $0x90000046  }
0x30: {  	s29 =	simm.s32 $0x9;
	_ =	strace $0x80000048  }
0x31: {  	_ =	swait.ge [sflag:s29], $0x1  }
0x32: {  	[sflag:s29] =	ssyncadd.s32 $0xFFFFFFFF  }
0x33: {  	_ =	strace $0x90000048  }
0x34: {  	_ =	sfence  }
0x35: {  	s30 =	sld [smem:$0x0];
	_ =	sdelay $0x2  }
0x36: {  	s31 =	sshll.u32 s1, $0xD;
	s1 =	sshrl.u32 s1, $0x2  }
0x37: {  	s3 =	sand.u32 $0x4000, s31;
	s1 =	sadd.s32 s1, s30  }
0x38: {  	s0 =	sor.u32 s3, s0;
	s1 =	sshll.u32 s1, $0x11  }
0x39: {  	s0 =	sor.u32 s1, s0  }
0x3a: {  	s0 =	sadd.s32 $0x8F2B, s0  }
0x3b: {  	[sflag:s0] =	ssyncadd.remote.s32 $0x1  }
0x3c: {  	_ =	sfence.sel $0xFFFF  }
0x3d: {  	[dreg:$0x0] =	wrdreg $0xFFFFFFFF;
	(pc) =	sbr.abs _section_cstart, $3  }
0x3e: {  	[dreg:$0x1] =	wrdreg $0xFFFFFFFF  }
0x3f: {  	_ =	task.clear_ibuf [dreg:s7], $0x2FFFF;
	_ =	strace $0x9FFFFFFF  }
0x40: {  	(tm) =	ssettm $0x7FFFFFFF  }
0x41: {  	_ =	shalt  }
tec
execute0_lowered:
.L_overlay_start_1:
0x0: {  	(tag) =	ssettag $0x1  }
0x1: {  	s0 =	srdreg.scid  }
0x2: {  	s1 =	sshll.u32 s0, $0x4  }
0x3: {  	s0 =	stileid.u32;
	s1 =	sand.u32 $0x10, s1  }
0x4: {  	s1 =	sor.u32 s0, s1  }
0x5: {  	s6 =	rddreg [dreg:$0x0];
	s4 =	simm.s32 $0x1;
	s2 =	sshll.u32 s1, $0x7  }
0x6: {  	s7 =	simm.s32 $0x2;
	s12 =	simm.s32 $0x0;
	s1 =	ssub.s32 $0x2000, s2  }
0x7: {  	s8 =	simm.s32 $0x10000;
	s13 =	simm.s32 $0x0;
	s3 =	sand.u32 $0xF80, s1  }
0x8: {  	s9 =	simm.s32 $0x0;
	s5 =	sshrl.u32 s1, $0xC;
	p0 =	sne.s32 s3, $0x0  }
.Ltmp0:
0x9: {  	s1 =	rddreg [dreg:$0x2];
	s4 =	simm.s32 @!p0 $0x0;
	(pc) =	sbr.rel .LBB1_1-.Ltmp0, $4  }
0xa: {  	s11 =	simm.s32 $0x0;
	s3 =	rddreg [dreg:$0x1];
	s5 =	sadd.s32 s4, s5  }
0xb: {  	_ =	strace $0x80000047;
	s4 =	simm.s32 $0x1;
	s5 =	smul.u32 $0x14, s5  }
0xc: {  	s6 =	sadd.s32 $0x281000, s6;
	s10 =	smov.u32 s2;
	[sflag:s4] =	ssyncpa.u1 $0x0  }
0xd: {  	p0 =	por $0x0, $0x0;
	[sflag:s7] =	ssyncpa.u1 $0x0;
	s7 =	sor.u32 $0x1, s5  }
.LBB1_4:
0xe: {  	v5 =	vld [tilespmem:s17+$0xFFFFFFD0];
	[tilespmem:s16+$0x2040 ss:$0x81] =	vst.msk $0xffff, v1  }
0xf: {  	v58 =	vld [tilespmem:s17+$0xFFFFFFE0];
	[tilespmem:s16+$0x2850 ss:$0x81] =	vst.msk $0xffff, v2  }
0x10: {  	s18 =	sshra.s32 s18, $0x2;
	v59 =	vld [tilespmem:s17+$0xFFFFFFF0];
	[tilespmem:s16+$0x3060 ss:$0x81] =	vst.msk $0xffff, v3  }
0x11: {  	v60 =	vld [tilespmem:s17+$0x0];
	[tilespmem:s16+$0x0 ss:$0x81] =	vst.msk $0xffff, v0;
	s15 =	sadd.s32 s18, s15  }
0x12: {  	v61 =	vld [tilespmem:s17+$0x10];
	[tilespmem:s15+$0x3870 ss:$0x81] =	vst.msk $0xffff, v4  }
0x13: {  	v62 =	vld [tilespmem:s17+$0x20];
	[tilespmem:s15+$0x810 ss:$0x81] =	vst.msk $0xffff, v5  }
0x14: {  	v63 =	vld [tilespmem:s17+$0xFFFFFFC0];
	[tilespmem:s15+$0x1020 ss:$0x81] =	vst.msk $0xffff, v58  }
0x15: {  	s28 =	sshll.u32 s13, $0x3;
	s29 =	sand.u32 $0x78, s13;
	[tilespmem:s15+$0x1830 ss:$0x81] =	vst.msk $0xffff, v59  }
0x16: {  	s30 =	sand.u32 $0x1FC00, s13;
	s12 =	sshll.u32 s12, $0x11;
	s16 =	sand.u32 $0x1C00, s28;
	[tilespmem:s15+$0x2040 ss:$0x81] =	vst.msk $0xffff, v60  }
0x17: {  	s31 =	sand.u32 $0x7, s13;
	s17 =	sadd.s32 s3, s30;
	s16 =	sor.u32 s29, s16;
	[tilespmem:s15+$0x2850 ss:$0x81] =	vst.msk $0xffff, v61  }
0x18: {  	s13 =	sshll.u32 s31, $0x12;
	s12 =	sadd.s32 s12, s17;
	s16 =	sshrl.u32 s16, $0x3;
	[tilespmem:s15+$0x3060 ss:$0x81] =	vst.msk $0xffff, v62  }
0x19: {  	s13 =	sor.u32 $0x400, s13;
	s12 =	sadd.s32 s16, s12;
	[tilespmem:s15+$0x0 ss:$0x81] =	vst.msk $0xffff, v63  }
0x1a: {  	[hbm4b:s12+s13] =	stream.strided.scatter [tilespmem:s14], [sflag:$0x2], $0x4000, s8, s13, $0x20;
	[tilespmem:$0x10100] =	vst v63  }
.LBB1_5:
0x1b: {  	s14 =	sadd.s32 $0x1, s9  }
0x1c: {  	s12 =	sadd.s32 $0x1000, s10;
	s16 =	smov.u32 s10;
	p2 =	sgt.s32 s14, $0x13  }
0x1d: {  	s16 =	smov.u32 @p2 s12  }
0x1e: {  	s14 =	simm.s32 @p2 $0x0;
	p2 =	sgt.s32 s16, $0x1FFF  }
0x1f: {  	s16 =	smov.u32 @p2 s2;
	p2 =	sne.s32 s11, s7  }
.Ltmp1:
0x20: {  	p1 =	slt.u32 s11, $0x2;
	(pc) =	sbr.rel @!p2 .LBB1_6-.Ltmp1, $4  }
0x21: {  	s15 =	simm.s32 @!p1 $0x2  }
0x22: {  	s13 =	smov.u32 s10;
	p0 =	por !p0, !p0;
	_ =	swait.ge @!p1 [sflag:s15], $0x4000  }
0x23: {  	s12 =	smov.u32 s9;
	[sflag:s15] =	ssyncset.done @!p1 $0x0;
	s9 =	smov.u32 s14  }
0x24: {  	s11 =	sadd.s32 $0x1, s11;
	[sflag:s15] =	ssyncadd.s32 @!p1 $0xFFFFC000;
	s10 =	smov.u32 s16  }
.LBB1_1:
0x25: {  	p1 =	sge.u32 s11, s5  }
0x26: {  	s14 =	sand.u32 @!p1 $0x1FFFFFF, s9  }
0x27: {  	s15 =	smulhi.u32 @!p1 $0xAAAAAAB, s14;
	_ =	sdelay $0x1  }
0x28: {  	s15 =	smul.u32 @!p1 $0x18, s15  }
0x29: {  	s16 =	sxor.u32 @!p1 $0xFFFFFFFF, s11;
	s17 =	smul.u32 @!p1 $0x180, s10  }
0x2a: {  	s31 =	sadd.s32 $0xFFFFFFFF, s11;
	s16 =	sshll.u32 @!p1 s16, $0xE;
	s14 =	ssub.s32 @!p1 s14, s15  }
0x2b: {  	s15 =	sand.u32 @!p1 $0x4000, s16;
	s16 =	sadd.s32 @!p1 s6, s17;
	s14 =	sshll.u32 @!p1 s14, $0x4  }
0x2c: {  	s17 =	simm.s32 @!p1 $0xC00;
	s14 =	sadd.s32 @!p1 s14, s16;
	s16 =	simm.s32 @!p1 $0x80  }
0x2d: {  	[tilespmem:s15], [sflag:$0x1] =	stream.strided.gather @!p1 [hbm4b:s14+s16], $0x4000, s17, s16, $0x38;
	[tilespmem:$0x10100] =	vst v63  }
0x2e: {  	p1 =	sge.u32 s31, s5  }
.Ltmp2:
0x2f: {  	_ = 	snop;
	(pc) =	sbr.rel @p1 .LBB1_5-.Ltmp2, $1  }
0x30: {  	_ =	sdelay $0x3  }
0x31: {  	s14 =	simm.s32 $0x1  }
0x32: {  	_ =	swait.ge [sflag:s4], $0x4000;
	s14 =	simm.s32 @!p0 $0x0  }
0x33: {  	[sflag:s4] =	ssyncset.done $0x0;
	s15 =	sshll.u32 s14, $0xE  }
0x34: {  	[sflag:s4] =	ssyncadd.s32 $0xFFFFC000;
	s17 =	sor.u32 $0x40, s15  }
0x35: {  	s14 =	smul.u32 $0x10200, s14;
	v0 =	vld [tilespmem:s17+$0x30]  }
0x36: {  	v3 =	vld [tilespmem:s17+$0xFFFFFFD0]  }
0x37: {  	s14 =	sshrl.u32 s14, $0x2;
	v4 =	vld [tilespmem:s17+$0xFFFFFFE0]  }
0x38: {  	v5 =	vld [tilespmem:s17+$0xFFFFFFF0];
	s15 =	sor.u32 $0x8000, s14  }
0x39: {  	s31 =	sand.u32 $0x1, s11;
	v1 =	vld [tilespmem:s17+$0x0];
	s16 =	sadd.s32 $0x0, s15  }
0x3a: {  	v2 =	vld [tilespmem:s17+$0x10];
	s14 =	smul.u32 $0x10200, s31;
	[tilespmem:s16+$0x3870 ss:$0x81] =	vst.msk $0xffff, v0  }
0x3b: {  	[tilespmem:s16+$0x810 ss:$0x81] =	vst.msk $0xffff, v3;
	v3 =	vld [tilespmem:s17+$0x20]  }
0x3c: {  	s14 =	sshrl.u32 s14, $0x2;
	v0 =	vld [tilespmem:s17+$0xFFFFFFC0];
	[tilespmem:s16+$0x1020 ss:$0x81] =	vst.msk $0xffff, v4;
	s17 =	sadd.s32 $0x80, s17  }
0x3d: {  	s18 =	simm.s32 $0x4;
	s19 =	simm.s32 $0x8;
	s14 =	sor.u32 $0x8000, s14;
	[tilespmem:s16+$0x1830 ss:$0x81] =	vst.msk $0xffff, v5;
	v4 =	vld [tilespmem:s17+$0x30]  }
.LBB1_3:
0x3e: {  	p1 =	sne.s32 s19, $0x1FC;
	v5 =	vld [tilespmem:s17+$0xFFFFFFD0];
	[tilespmem:s16+$0x2040 ss:$0x81] =	vst.msk $0xffff, v1  }
0x3f: {  	v6 =	vld [tilespmem:s17+$0xFFFFFFE0];
	[tilespmem:s16+$0x2850 ss:$0x81] =	vst.msk $0xffff, v2  }
0x40: {  	s20 =	sshra.s32 s18, $0x2;
	s18 =	smov.u32 s19;
	v7 =	vld [tilespmem:s17+$0xFFFFFFF0];
	[tilespmem:s16+$0x3060 ss:$0x81] =	vst.msk $0xffff, v3  }
.Ltmp3:
0x41: {  	v1 =	vld [tilespmem:s17+$0x0];
	[tilespmem:s16+$0x0 ss:$0x81] =	vst.msk $0xffff, v0;
	s16 =	sadd.s32 s20, s15;
	(pc) =	sbr.rel @p1 .LBB1_3-.Ltmp3, $4  }
0x42: {  	v2 =	vld [tilespmem:s17+$0x10];
	[tilespmem:s16+$0x3870 ss:$0x81] =	vst.msk $0xffff, v4  }
0x43: {  	[tilespmem:s16+$0x810 ss:$0x81] =	vst.msk $0xffff, v5;
	v3 =	vld [tilespmem:s17+$0x20]  }
0x44: {  	v0 =	vld [tilespmem:s17+$0xFFFFFFC0];
	[tilespmem:s16+$0x1020 ss:$0x81] =	vst.msk $0xffff, v6;
	s17 =	sadd.s32 $0x80, s17  }
0x45: {  	s19 =	sadd.s32 $0x4, s19;
	v4 =	vld [tilespmem:s17+$0x30];
	[tilespmem:s16+$0x1830 ss:$0x81] =	vst.msk $0xffff, v7  }
.Ltmp4:
0x46: {  	_ = 	snop;
	(pc) =	sbr.rel .LBB1_4-.Ltmp4, $1  }
0x47: {  	_ =	sdelay $0x3  }
.LBB1_6:
0x48: {  	_ =	sfence.sel $0x180000  }
0x49: {  	s2 =	simm.s32 $0x1;
	[bflag:$0x0] =	sbarrier.arrive $0xFFFF  }
0x4a: {  	s31 =	simm.s32 $0x2;
	[sflag:s2] =	ssyncpa.u1 $0x1  }
0x4b: {  	[sflag:s31] =	ssyncpa.u1 $0x1  }
0x4c: {  	p0 =	sne.s32 s0, $0x0;
	_ =	strace $0x90000047  }
0x4d: {  	s0 =	sadd.s32 @!p0 $0x100000, s1;
	[bflag:$0x2] =	sbarrier.arrive $0xFFFF  }
0x4e: {  	[sflag:s0] =	ssyncadd.tile.s32 @!p0 $0x1;
	_ =	shalt  }
.Lfunc_end1:
_tile_overlayer_lowered:
.L_overlay_start_2:
0x4f: {  	(tag) =	ssettag $0x2  }
0x50: {  	s0 =	rddreg [dreg:$0x0];
	s2 =	stileid.u32  }
0x51: {  	s1 =	rddreg [dreg:$0x1];
	p0 =	sne.s32 s2, $0x0  }
0x52: {  	s3 =	rddreg [dreg:$0x2];
	[bflag:$0x3] =	sbarrier.arrive $0xFFFF;
	s2 =	simm.s32 @!p0 $0x1C01  }
0x53: {  	[timem:s3], [sflag:s2] =	dma.local @!p0 [hbm:s0], s1  }
0x54: {  	s0 =	simm.s32 @!p0 $0x1  }
0x55: {  	_ =	swait.ge @!p0 [sflag:s0], s1  }
0x56: {  	s1 =	ssub.s32 @!p0 $0x0, s1;
	[sflag:s0] =	ssyncset.done @!p0 $0x0  }
0x57: {  	[sflag:s0] =	ssyncadd.s32 @!p0 s1  }
0x58: {  	[bflag:$0x3] =	sbarrier.arrive $0xFFFF  }
0x59: {  	_ =	shalt  }

</sc_bundles>
